<compile_context>
chip_gen: v7x
topology: tpu7x:2x2x1
jax: 0.10.2.dev20260603
libtpu: 0.0.44.dev20260713+nightly
codegen_flags: <defaults>
</compile_context>

<pallas_src>
import jax
import jax.numpy as jnp
from jax import lax
from jax.experimental import pallas as pl
from jax.experimental.pallas import tpu as pltpu
from jax.experimental.pallas import tpu_sc as plsc

EMBED_DIM = 768
B = 32
N = 4096
NUM_IDX = B * N

NUM_WORKERS = 32
IDX_PER_TILE = NUM_IDX // NUM_WORKERS
CHUNK = 32
NBUF = 4
CHUNKS_PER_TILE = IDX_PER_TILE // CHUNK


def _body(table_hbm, idx_hbm, out_hbm, idx_v, *scratch):
    bufs = scratch[:NBUF]
    gsems = scratch[NBUF:2 * NBUF]
    wsems = scratch[2 * NBUF:3 * NBUF]

    cid = lax.axis_index("core")
    sid = lax.axis_index("subcore")
    wid = sid * 2 + cid
    base = wid * IDX_PER_TILE

    pltpu.sync_copy(idx_hbm.at[pl.ds(base, IDX_PER_TILE)], idx_v)

    @pl.loop(0, CHUNKS_PER_TILE, step=NBUF)
    def _(c):
        handles = []
        for b in range(NBUF):
            @pl.when(c >= NBUF)
            def _(b=b):
                pltpu.make_async_copy(
                    bufs[b], out_hbm.at[pl.ds(base, CHUNK)], wsems[b]
                ).wait()

            handles.append(pltpu.async_copy(
                table_hbm.at[idx_v.at[pl.ds((c + b) * CHUNK, CHUNK)]],
                bufs[b], gsems[b],
            ))
        for b in range(NBUF):
            handles[b].wait()
            pltpu.async_copy(
                bufs[b], out_hbm.at[pl.ds(base + (c + b) * CHUNK, CHUNK)],
                wsems[b],
            )

    for b in range(NBUF):
        pltpu.make_async_copy(
            bufs[b], out_hbm.at[pl.ds(base, CHUNK)], wsems[b]
        ).wait()


def kernel(indices, spatial_embed):
    idx_flat = indices.reshape(NUM_IDX).astype(jnp.int32)
    mesh = plsc.VectorSubcoreMesh(
        core_axis_name="core", subcore_axis_name="subcore"
    )
    k = pl.kernel(
        _body,
        out_type=jax.ShapeDtypeStruct((NUM_IDX, EMBED_DIM), jnp.float32),
        mesh=mesh,
        scratch_types=[
            pltpu.VMEM((IDX_PER_TILE,), jnp.int32),
            *[pltpu.VMEM((CHUNK, EMBED_DIM), jnp.float32)
              for _ in range(NBUF)],
            *[pltpu.SemaphoreType.DMA for _ in range(2 * NBUF)],
        ],
    )
    out = k(spatial_embed, idx_flat)
    return out.reshape(B, N, EMBED_DIM)

# --- scband reference (transcript-rebuilt; emitter-appended) ---
"""Pipeline reference for scband-position-embedding-60043642798181 (READ-ONLY COPY).

The authoritative reference and input builder live on the scoring server;
editing this copy changes nothing except your own understanding.
"""

import jax, jax.numpy as jnp
import numpy as np

EMBED_DIM = 768
MAX_H = 16
MAX_W = 16
B = 32
N = 4096


def setup_inputs(seed: int = 0) -> dict:
    key = jax.random.key(seed)
    k_idx, k_tab = jax.random.split(key)
    indices = jax.random.randint(k_idx, (B, N), 0, MAX_H * MAX_W, dtype=jnp.int64 if jax.config.jax_enable_x64 else jnp.int32)
    spatial_embed = 0.02 * jax.random.normal(k_tab, (MAX_H * MAX_W, EMBED_DIM), dtype=jnp.float32)
    return {"indices": indices, "spatial_embed": spatial_embed}


def reference(indices, spatial_embed):
    # PositionEmbedding.__call__: gather learned spatial embeddings by flat index h*W + w
    pos_embed = jnp.take(spatial_embed, indices, axis=0)  # (B, N, D)
    return pos_embed

if __name__ == "__main__":
    import jax
    _d = setup_inputs()
    print(jax.jit(kernel)(*tuple(_d.values())))

</pallas_src>

<mosaic_0001>
#map = affine_map<(d0, d1) -> (0, 0)>
#map1 = affine_map<(d0, d1) -> (0)>
module attributes {stable_mosaic.version = 14 : i64} {
  func.func @_body(%arg0: i32, %arg1: i32, %arg2: memref<256x768xf32, #tpu.memory_space<hbm>>, %arg3: memref<131072xi32, #tpu.memory_space<hbm>>, %arg4: memref<131072x768xf32, #tpu.memory_space<hbm>>, %arg5: memref<4096xi32, #tpu.memory_space<vmem>>, %arg6: memref<32x768xf32, #tpu.memory_space<vmem>>, %arg7: memref<32x768xf32, #tpu.memory_space<vmem>>, %arg8: memref<32x768xf32, #tpu.memory_space<vmem>>, %arg9: memref<32x768xf32, #tpu.memory_space<vmem>>, %arg10: memref<!tpu.dma_semaphore, #tpu.memory_space<semaphore_mem>>, %arg11: memref<!tpu.dma_semaphore, #tpu.memory_space<semaphore_mem>>, %arg12: memref<!tpu.dma_semaphore, #tpu.memory_space<semaphore_mem>>, %arg13: memref<!tpu.dma_semaphore, #tpu.memory_space<semaphore_mem>>, %arg14: memref<!tpu.dma_semaphore, #tpu.memory_space<semaphore_mem>>, %arg15: memref<!tpu.dma_semaphore, #tpu.memory_space<semaphore_mem>>, %arg16: memref<!tpu.dma_semaphore, #tpu.memory_space<semaphore_mem>>, %arg17: memref<!tpu.dma_semaphore, #tpu.memory_space<semaphore_mem>>) attributes {dimension_semantics = [#tpu.dimension_semantics<core_parallel>, #tpu.dimension_semantics<subcore_parallel>], iteration_bounds = array<i64: 2, 16>, scalar_prefetch = 0 : i64, scratch_operands = 13 : i64, tpu.core_type = #tpu.core_type<sc_vector_subcore>, window_params = [{transform_indices = #map}, {transform_indices = #map1}, {transform_indices = #map}]} {
    %mul3A = arith.constant 2 : i32
    %mul3A_0 = arith.muli %arg1, %mul3A : i32
    %add3A = arith.addi %mul3A_0, %arg0 : i32
    %mul3A_1 = arith.constant 4096 : i32
    %mul3A_2 = arith.muli %add3A, %mul3A_1 : i32
    "tpu.region"() ({
      %run_scoped3A = tpu.sem_alloc : memref<!tpu.dma_semaphore, #tpu.memory_space<semaphore_mem>>
      %dma_start3A = tpu.memref_slice %arg3[%mul3A_2] : memref<131072xi32, #tpu.memory_space<hbm>> -> memref<4096xi32, #tpu.memory_space<hbm>>
      %dma_start3A_22 = tpu.memref_slice %arg3[%mul3A_2] : memref<131072xi32, #tpu.memory_space<hbm>> -> memref<4096xi32, #tpu.memory_space<hbm>>
      tpu.enqueue_dma source(%dma_start3A_22 : memref<4096xi32, #tpu.memory_space<hbm>>) target(%arg5 : memref<4096xi32, #tpu.memory_space<vmem>>) target_semaphore(%run_scoped3A : memref<!tpu.dma_semaphore, #tpu.memory_space<semaphore_mem>>)
      %dma_wait3A_23 = tpu.memref_slice %arg3[%mul3A_2] : memref<131072xi32, #tpu.memory_space<hbm>> -> memref<4096xi32, #tpu.memory_space<hbm>>
      %dma_wait3A_24 = tpu.memref_slice %arg3[%mul3A_2] : memref<131072xi32, #tpu.memory_space<hbm>> -> memref<4096xi32, #tpu.memory_space<hbm>>
      tpu.wait_dma2 semaphore(%run_scoped3A : memref<!tpu.dma_semaphore, #tpu.memory_space<semaphore_mem>>) src(%dma_wait3A_24 : memref<4096xi32, #tpu.memory_space<hbm>>) dst(%arg5 : memref<4096xi32, #tpu.memory_space<vmem>>)
      tpu.yield
    }) : () -> ()
    %scan3A = arith.constant 0 : i32
    %scan3A_3 = arith.constant 32 : i32
    %scan3A_4 = arith.addi %scan3A, %scan3A_3 : i32
    %scan3A_5 = arith.constant 1 : i32
    scf.for %scan3A_22 = %scan3A to %scan3A_4 step %scan3A_5  : i32 {
      %mul3A_23 = arith.constant 4 : i32
      %mul3A_24 = arith.muli %scan3A_22, %mul3A_23 : i32
      %add3A_25 = arith.constant 0 : i32
      %add3A_26 = arith.addi %add3A_25, %mul3A_24 : i32
      %ge3A = arith.constant 4 : i32
      %ge3A_27 = arith.cmpi sge, %add3A_26, %ge3A : i32
      %convert_element_type3A = arith.extui %ge3A_27 : i1 to i32
      %cond3A = arith.constant 0 : i32
      %cond3A_28 = arith.cmpi ne, %convert_element_type3A, %cond3A : i32
      scf.if %cond3A_28 {
        %dma_wait3A_127 = arith.constant 0 : i32
        %dma_wait3A_128 = tpu.memref_slice %arg4[%mul3A_2, %dma_wait3A_127] : memref<131072x768xf32, #tpu.memory_space<hbm>> -> memref<32x768xf32, #tpu.memory_space<hbm>>
        %dma_wait3A_129 = arith.constant 0 : i32
        %dma_wait3A_130 = tpu.memref_slice %arg4[%mul3A_2, %dma_wait3A_129] : memref<131072x768xf32, #tpu.memory_space<hbm>> -> memref<32x768xf32, #tpu.memory_space<hbm>>
        tpu.wait_dma2 semaphore(%arg14 : memref<!tpu.dma_semaphore, #tpu.memory_space<semaphore_mem>>) src(%arg6 : memref<32x768xf32, #tpu.memory_space<vmem>>) dst(%dma_wait3A_130 : memref<32x768xf32, #tpu.memory_space<hbm>>)
      } else {
      }
      %add3A_29 = arith.constant 0 : i32
      %add3A_30 = arith.addi %add3A_26, %add3A_29 : i32
      %mul3A_31 = arith.constant 32 : i32
      %mul3A_32 = arith.muli %add3A_30, %mul3A_31 : i32
      %dma_start3A = tpu.memref_slice %arg5[%mul3A_32] : memref<4096xi32, #tpu.memory_space<vmem>> -> memref<32xi32, #tpu.memory_space<vmem>>
      %dma_start3A_33 = arith.constant 0 : i32
      %dma_start3A_34 = arith.constant 0 : i32
      %dma_start3A_35 = tpu.memref_slice %arg2[%dma_start3A_33, %dma_start3A_34] : memref<256x768xf32, #tpu.memory_space<hbm>> -> memref<256x768xf32, #tpu.memory_space<hbm>>
      tpu.enqueue_indirect_dma source(%dma_start3A_35 : memref<256x768xf32, #tpu.memory_space<hbm>>) target(%arg6 : memref<32x768xf32, #tpu.memory_space<vmem>>) offsets(%dma_start3A : memref<32xi32, #tpu.memory_space<vmem>>) semaphore(%arg10 : memref<!tpu.dma_semaphore, #tpu.memory_space<semaphore_mem>>)
      %ge3A_36 = arith.constant 4 : i32
      %ge3A_37 = arith.cmpi sge, %add3A_26, %ge3A_36 : i32
      %convert_element_type3A_38 = arith.extui %ge3A_37 : i1 to i32
      %cond3A_39 = arith.constant 0 : i32
      %cond3A_40 = arith.cmpi ne, %convert_element_type3A_38, %cond3A_39 : i32
      scf.if %cond3A_40 {
        %dma_wait3A_127 = arith.constant 0 : i32
        %dma_wait3A_128 = tpu.memref_slice %arg4[%mul3A_2, %dma_wait3A_127] : memref<131072x768xf32, #tpu.memory_space<hbm>> -> memref<32x768xf32, #tpu.memory_space<hbm>>
        %dma_wait3A_129 = arith.constant 0 : i32
        %dma_wait3A_130 = tpu.memref_slice %arg4[%mul3A_2, %dma_wait3A_129] : memref<131072x768xf32, #tpu.memory_space<hbm>> -> memref<32x768xf32, #tpu.memory_space<hbm>>
        tpu.wait_dma2 semaphore(%arg15 : memref<!tpu.dma_semaphore, #tpu.memory_space<semaphore_mem>>) src(%arg7 : memref<32x768xf32, #tpu.memory_space<vmem>>) dst(%dma_wait3A_130 : memref<32x768xf32, #tpu.memory_space<hbm>>)
      } else {
      }
      %add3A_41 = arith.constant 1 : i32
      %add3A_42 = arith.addi %add3A_26, %add3A_41 : i32
      %mul3A_43 = arith.constant 32 : i32
      %mul3A_44 = arith.muli %add3A_42, %mul3A_43 : i32
      %dma_start3A_45 = tpu.memref_slice %arg5[%mul3A_44] : memref<4096xi32, #tpu.memory_space<vmem>> -> memref<32xi32, #tpu.memory_space<vmem>>
      %dma_start3A_46 = arith.constant 0 : i32
      %dma_start3A_47 = arith.constant 0 : i32
      %dma_start3A_48 = tpu.memref_slice %arg2[%dma_start3A_46, %dma_start3A_47] : memref<256x768xf32, #tpu.memory_space<hbm>> -> memref<256x768xf32, #tpu.memory_space<hbm>>
      tpu.enqueue_indirect_dma source(%dma_start3A_48 : memref<256x768xf32, #tpu.memory_space<hbm>>) target(%arg7 : memref<32x768xf32, #tpu.memory_space<vmem>>) offsets(%dma_start3A_45 : memref<32xi32, #tpu.memory_space<vmem>>) semaphore(%arg11 : memref<!tpu.dma_semaphore, #tpu.memory_space<semaphore_mem>>)
      %ge3A_49 = arith.constant 4 : i32
      %ge3A_50 = arith.cmpi sge, %add3A_26, %ge3A_49 : i32
      %convert_element_type3A_51 = arith.extui %ge3A_50 : i1 to i32
      %cond3A_52 = arith.constant 0 : i32
      %cond3A_53 = arith.cmpi ne, %convert_element_type3A_51, %cond3A_52 : i32
      scf.if %cond3A_53 {
        %dma_wait3A_127 = arith.constant 0 : i32
        %dma_wait3A_128 = tpu.memref_slice %arg4[%mul3A_2, %dma_wait3A_127] : memref<131072x768xf32, #tpu.memory_space<hbm>> -> memref<32x768xf32, #tpu.memory_space<hbm>>
        %dma_wait3A_129 = arith.constant 0 : i32
        %dma_wait3A_130 = tpu.memref_slice %arg4[%mul3A_2, %dma_wait3A_129] : memref<131072x768xf32, #tpu.memory_space<hbm>> -> memref<32x768xf32, #tpu.memory_space<hbm>>
        tpu.wait_dma2 semaphore(%arg16 : memref<!tpu.dma_semaphore, #tpu.memory_space<semaphore_mem>>) src(%arg8 : memref<32x768xf32, #tpu.memory_space<vmem>>) dst(%dma_wait3A_130 : memref<32x768xf32, #tpu.memory_space<hbm>>)
      } else {
      }
      %add3A_54 = arith.constant 2 : i32
      %add3A_55 = arith.addi %add3A_26, %add3A_54 : i32
      %mul3A_56 = arith.constant 32 : i32
      %mul3A_57 = arith.muli %add3A_55, %mul3A_56 : i32
      %dma_start3A_58 = tpu.memref_slice %arg5[%mul3A_57] : memref<4096xi32, #tpu.memory_space<vmem>> -> memref<32xi32, #tpu.memory_space<vmem>>
      %dma_start3A_59 = arith.constant 0 : i32
      %dma_start3A_60 = arith.constant 0 : i32
      %dma_start3A_61 = tpu.memref_slice %arg2[%dma_start3A_59, %dma_start3A_60] : memref<256x768xf32, #tpu.memory_space<hbm>> -> memref<256x768xf32, #tpu.memory_space<hbm>>
      tpu.enqueue_indirect_dma source(%dma_start3A_61 : memref<256x768xf32, #tpu.memory_space<hbm>>) target(%arg8 : memref<32x768xf32, #tpu.memory_space<vmem>>) offsets(%dma_start3A_58 : memref<32xi32, #tpu.memory_space<vmem>>) semaphore(%arg12 : memref<!tpu.dma_semaphore, #tpu.memory_space<semaphore_mem>>)
      %ge3A_62 = arith.constant 4 : i32
      %ge3A_63 = arith.cmpi sge, %add3A_26, %ge3A_62 : i32
      %convert_element_type3A_64 = arith.extui %ge3A_63 : i1 to i32
      %cond3A_65 = arith.constant 0 : i32
      %cond3A_66 = arith.cmpi ne, %convert_element_type3A_64, %cond3A_65 : i32
      scf.if %cond3A_66 {
        %dma_wait3A_127 = arith.constant 0 : i32
        %dma_wait3A_128 = tpu.memref_slice %arg4[%mul3A_2, %dma_wait3A_127] : memref<131072x768xf32, #tpu.memory_space<hbm>> -> memref<32x768xf32, #tpu.memory_space<hbm>>
        %dma_wait3A_129 = arith.constant 0 : i32
        %dma_wait3A_130 = tpu.memref_slice %arg4[%mul3A_2, %dma_wait3A_129] : memref<131072x768xf32, #tpu.memory_space<hbm>> -> memref<32x768xf32, #tpu.memory_space<hbm>>
        tpu.wait_dma2 semaphore(%arg17 : memref<!tpu.dma_semaphore, #tpu.memory_space<semaphore_mem>>) src(%arg9 : memref<32x768xf32, #tpu.memory_space<vmem>>) dst(%dma_wait3A_130 : memref<32x768xf32, #tpu.memory_space<hbm>>)
      } else {
      }
      %add3A_67 = arith.constant 3 : i32
      %add3A_68 = arith.addi %add3A_26, %add3A_67 : i32
      %mul3A_69 = arith.constant 32 : i32
      %mul3A_70 = arith.muli %add3A_68, %mul3A_69 : i32
      %dma_start3A_71 = tpu.memref_slice %arg5[%mul3A_70] : memref<4096xi32, #tpu.memory_space<vmem>> -> memref<32xi32, #tpu.memory_space<vmem>>
      %dma_start3A_72 = arith.constant 0 : i32
      %dma_start3A_73 = arith.constant 0 : i32
      %dma_start3A_74 = tpu.memref_slice %arg2[%dma_start3A_72, %dma_start3A_73] : memref<256x768xf32, #tpu.memory_space<hbm>> -> memref<256x768xf32, #tpu.memory_space<hbm>>
      tpu.enqueue_indirect_dma source(%dma_start3A_74 : memref<256x768xf32, #tpu.memory_space<hbm>>) target(%arg9 : memref<32x768xf32, #tpu.memory_space<vmem>>) offsets(%dma_start3A_71 : memref<32xi32, #tpu.memory_space<vmem>>) semaphore(%arg13 : memref<!tpu.dma_semaphore, #tpu.memory_space<semaphore_mem>>)
      %dma_wait3A_75 = tpu.memref_slice %arg5[%mul3A_32] : memref<4096xi32, #tpu.memory_space<vmem>> -> memref<32xi32, #tpu.memory_space<vmem>>
      %dma_wait3A_76 = arith.constant 0 : i32
      %dma_wait3A_77 = arith.constant 0 : i32
      %dma_wait3A_78 = tpu.memref_slice %arg2[%dma_wait3A_76, %dma_wait3A_77] : memref<256x768xf32, #tpu.memory_space<hbm>> -> memref<256x768xf32, #tpu.memory_space<hbm>>
      tpu.wait_indirect_dma semaphore(%arg10 : memref<!tpu.dma_semaphore, #tpu.memory_space<semaphore_mem>>) src(%dma_wait3A_78 : memref<256x768xf32, #tpu.memory_space<hbm>>) dst(%arg6 : memref<32x768xf32, #tpu.memory_space<vmem>>)
      %add3A_79 = arith.constant 0 : i32
      %add3A_80 = arith.addi %add3A_26, %add3A_79 : i32
      %mul3A_81 = arith.constant 32 : i32
      %mul3A_82 = arith.muli %add3A_80, %mul3A_81 : i32
      %add3A_83 = arith.addi %mul3A_2, %mul3A_82 : i32
      %dma_start3A_84 = arith.constant 0 : i32
      %dma_start3A_85 = tpu.memref_slice %arg4[%add3A_83, %dma_start3A_84] : memref<131072x768xf32, #tpu.memory_space<hbm>> -> memref<32x768xf32, #tpu.memory_space<hbm>>
      %dma_start3A_86 = arith.constant 0 : i32
      %dma_start3A_87 = tpu.memref_slice %arg4[%add3A_83, %dma_start3A_86] : memref<131072x768xf32, #tpu.memory_space<hbm>> -> memref<32x768xf32, #tpu.memory_space<hbm>>
      tpu.enqueue_dma source(%arg6 : memref<32x768xf32, #tpu.memory_space<vmem>>) target(%dma_start3A_87 : memref<32x768xf32, #tpu.memory_space<hbm>>) target_semaphore(%arg14 : memref<!tpu.dma_semaphore, #tpu.memory_space<semaphore_mem>>)
      %dma_wait3A_88 = tpu.memref_slice %arg5[%mul3A_44] : memref<4096xi32, #tpu.memory_space<vmem>> -> memref<32xi32, #tpu.memory_space<vmem>>
      %dma_wait3A_89 = arith.constant 0 : i32
      %dma_wait3A_90 = arith.constant 0 : i32
      %dma_wait3A_91 = tpu.memref_slice %arg2[%dma_wait3A_89, %dma_wait3A_90] : memref<256x768xf32, #tpu.memory_space<hbm>> -> memref<256x768xf32, #tpu.memory_space<hbm>>
      tpu.wait_indirect_dma semaphore(%arg11 : memref<!tpu.dma_semaphore, #tpu.memory_space<semaphore_mem>>) src(%dma_wait3A_91 : memref<256x768xf32, #tpu.memory_space<hbm>>) dst(%arg7 : memref<32x768xf32, #tpu.memory_space<vmem>>)
      %add3A_92 = arith.constant 1 : i32
      %add3A_93 = arith.addi %add3A_26, %add3A_92 : i32
      %mul3A_94 = arith.constant 32 : i32
      %mul3A_95 = arith.muli %add3A_93, %mul3A_94 : i32
      %add3A_96 = arith.addi %mul3A_2, %mul3A_95 : i32
      %dma_start3A_97 = arith.constant 0 : i32
      %dma_start3A_98 = tpu.memref_slice %arg4[%add3A_96, %dma_start3A_97] : memref<131072x768xf32, #tpu.memory_space<hbm>> -> memref<32x768xf32, #tpu.memory_space<hbm>>
      %dma_start3A_99 = arith.constant 0 : i32
      %dma_start3A_100 = tpu.memref_slice %arg4[%add3A_96, %dma_start3A_99] : memref<131072x768xf32, #tpu.memory_space<hbm>> -> memref<32x768xf32, #tpu.memory_space<hbm>>
      tpu.enqueue_dma source(%arg7 : memref<32x768xf32, #tpu.memory_space<vmem>>) target(%dma_start3A_100 : memref<32x768xf32, #tpu.memory_space<hbm>>) target_semaphore(%arg15 : memref<!tpu.dma_semaphore, #tpu.memory_space<semaphore_mem>>)
      %dma_wait3A_101 = tpu.memref_slice %arg5[%mul3A_57] : memref<4096xi32, #tpu.memory_space<vmem>> -> memref<32xi32, #tpu.memory_space<vmem>>
      %dma_wait3A_102 = arith.constant 0 : i32
      %dma_wait3A_103 = arith.constant 0 : i32
      %dma_wait3A_104 = tpu.memref_slice %arg2[%dma_wait3A_102, %dma_wait3A_103] : memref<256x768xf32, #tpu.memory_space<hbm>> -> memref<256x768xf32, #tpu.memory_space<hbm>>
      tpu.wait_indirect_dma semaphore(%arg12 : memref<!tpu.dma_semaphore, #tpu.memory_space<semaphore_mem>>) src(%dma_wait3A_104 : memref<256x768xf32, #tpu.memory_space<hbm>>) dst(%arg8 : memref<32x768xf32, #tpu.memory_space<vmem>>)
      %add3A_105 = arith.constant 2 : i32
      %add3A_106 = arith.addi %add3A_26, %add3A_105 : i32
      %mul3A_107 = arith.constant 32 : i32
      %mul3A_108 = arith.muli %add3A_106, %mul3A_107 : i32
      %add3A_109 = arith.addi %mul3A_2, %mul3A_108 : i32
      %dma_start3A_110 = arith.constant 0 : i32
      %dma_start3A_111 = tpu.memref_slice %arg4[%add3A_109, %dma_start3A_110] : memref<131072x768xf32, #tpu.memory_space<hbm>> -> memref<32x768xf32, #tpu.memory_space<hbm>>
      %dma_start3A_112 = arith.constant 0 : i32
      %dma_start3A_113 = tpu.memref_slice %arg4[%add3A_109, %dma_start3A_112] : memref<131072x768xf32, #tpu.memory_space<hbm>> -> memref<32x768xf32, #tpu.memory_space<hbm>>
      tpu.enqueue_dma source(%arg8 : memref<32x768xf32, #tpu.memory_space<vmem>>) target(%dma_start3A_113 : memref<32x768xf32, #tpu.memory_space<hbm>>) target_semaphore(%arg16 : memref<!tpu.dma_semaphore, #tpu.memory_space<semaphore_mem>>)
      %dma_wait3A_114 = tpu.memref_slice %arg5[%mul3A_70] : memref<4096xi32, #tpu.memory_space<vmem>> -> memref<32xi32, #tpu.memory_space<vmem>>
      %dma_wait3A_115 = arith.constant 0 : i32
      %dma_wait3A_116 = arith.constant 0 : i32
      %dma_wait3A_117 = tpu.memref_slice %arg2[%dma_wait3A_115, %dma_wait3A_116] : memref<256x768xf32, #tpu.memory_space<hbm>> -> memref<256x768xf32, #tpu.memory_space<hbm>>
      tpu.wait_indirect_dma semaphore(%arg13 : memref<!tpu.dma_semaphore, #tpu.memory_space<semaphore_mem>>) src(%dma_wait3A_117 : memref<256x768xf32, #tpu.memory_space<hbm>>) dst(%arg9 : memref<32x768xf32, #tpu.memory_space<vmem>>)
      %add3A_118 = arith.constant 3 : i32
      %add3A_119 = arith.addi %add3A_26, %add3A_118 : i32
      %mul3A_120 = arith.constant 32 : i32
      %mul3A_121 = arith.muli %add3A_119, %mul3A_120 : i32
      %add3A_122 = arith.addi %mul3A_2, %mul3A_121 : i32
      %dma_start3A_123 = arith.constant 0 : i32
      %dma_start3A_124 = tpu.memref_slice %arg4[%add3A_122, %dma_start3A_123] : memref<131072x768xf32, #tpu.memory_space<hbm>> -> memref<32x768xf32, #tpu.memory_space<hbm>>
      %dma_start3A_125 = arith.constant 0 : i32
      %dma_start3A_126 = tpu.memref_slice %arg4[%add3A_122, %dma_start3A_125] : memref<131072x768xf32, #tpu.memory_space<hbm>> -> memref<32x768xf32, #tpu.memory_space<hbm>>
      tpu.enqueue_dma source(%arg9 : memref<32x768xf32, #tpu.memory_space<vmem>>) target(%dma_start3A_126 : memref<32x768xf32, #tpu.memory_space<hbm>>) target_semaphore(%arg17 : memref<!tpu.dma_semaphore, #tpu.memory_space<semaphore_mem>>)
    }
    %scan3A_6 = arith.constant 32 : i32
    %dma_wait3A = arith.constant 0 : i32
    %dma_wait3A_7 = tpu.memref_slice %arg4[%mul3A_2, %dma_wait3A] : memref<131072x768xf32, #tpu.memory_space<hbm>> -> memref<32x768xf32, #tpu.memory_space<hbm>>
    %dma_wait3A_8 = arith.constant 0 : i32
    %dma_wait3A_9 = tpu.memref_slice %arg4[%mul3A_2, %dma_wait3A_8] : memref<131072x768xf32, #tpu.memory_space<hbm>> -> memref<32x768xf32, #tpu.memory_space<hbm>>
    tpu.wait_dma2 semaphore(%arg14 : memref<!tpu.dma_semaphore, #tpu.memory_space<semaphore_mem>>) src(%arg6 : memref<32x768xf32, #tpu.memory_space<vmem>>) dst(%dma_wait3A_9 : memref<32x768xf32, #tpu.memory_space<hbm>>)
    %dma_wait3A_10 = arith.constant 0 : i32
    %dma_wait3A_11 = tpu.memref_slice %arg4[%mul3A_2, %dma_wait3A_10] : memref<131072x768xf32, #tpu.memory_space<hbm>> -> memref<32x768xf32, #tpu.memory_space<hbm>>
    %dma_wait3A_12 = arith.constant 0 : i32
    %dma_wait3A_13 = tpu.memref_slice %arg4[%mul3A_2, %dma_wait3A_12] : memref<131072x768xf32, #tpu.memory_space<hbm>> -> memref<32x768xf32, #tpu.memory_space<hbm>>
    tpu.wait_dma2 semaphore(%arg15 : memref<!tpu.dma_semaphore, #tpu.memory_space<semaphore_mem>>) src(%arg7 : memref<32x768xf32, #tpu.memory_space<vmem>>) dst(%dma_wait3A_13 : memref<32x768xf32, #tpu.memory_space<hbm>>)
    %dma_wait3A_14 = arith.constant 0 : i32
    %dma_wait3A_15 = tpu.memref_slice %arg4[%mul3A_2, %dma_wait3A_14] : memref<131072x768xf32, #tpu.memory_space<hbm>> -> memref<32x768xf32, #tpu.memory_space<hbm>>
    %dma_wait3A_16 = arith.constant 0 : i32
    %dma_wait3A_17 = tpu.memref_slice %arg4[%mul3A_2, %dma_wait3A_16] : memref<131072x768xf32, #tpu.memory_space<hbm>> -> memref<32x768xf32, #tpu.memory_space<hbm>>
    tpu.wait_dma2 semaphore(%arg16 : memref<!tpu.dma_semaphore, #tpu.memory_space<semaphore_mem>>) src(%arg8 : memref<32x768xf32, #tpu.memory_space<vmem>>) dst(%dma_wait3A_17 : memref<32x768xf32, #tpu.memory_space<hbm>>)
    %dma_wait3A_18 = arith.constant 0 : i32
    %dma_wait3A_19 = tpu.memref_slice %arg4[%mul3A_2, %dma_wait3A_18] : memref<131072x768xf32, #tpu.memory_space<hbm>> -> memref<32x768xf32, #tpu.memory_space<hbm>>
    %dma_wait3A_20 = arith.constant 0 : i32
    %dma_wait3A_21 = tpu.memref_slice %arg4[%mul3A_2, %dma_wait3A_20] : memref<131072x768xf32, #tpu.memory_space<hbm>> -> memref<32x768xf32, #tpu.memory_space<hbm>>
    tpu.wait_dma2 semaphore(%arg17 : memref<!tpu.dma_semaphore, #tpu.memory_space<semaphore_mem>>) src(%arg9 : memref<32x768xf32, #tpu.memory_space<vmem>>) dst(%dma_wait3A_21 : memref<32x768xf32, #tpu.memory_space<hbm>>)
    return
  }
}

</mosaic_0001>

<sc_bundles>
// kernel: kernel.3.cloned.1.call-start
scs
__scs_entry_jumppad:
0x0: {  	(pc) =	sbr.rel $0x88, $3  }
0x1: {  	(tag) =	ssettag $0x0;
	lr =	simm.s32 $0x1  }
0x2: {  	[smem:$0x3F9F] =	sst lr;
	_ =	strace $0xD0000000  }
0x3: {  	_ = 	snop  }
0x4: {  	_ = 	snop  }
0x5: {  	_ = 	snop  }
0x6: {  	_ = 	snop  }
0x7: {  	_ = 	snop  }
__scs_overlays_trampoline_lowered:
0x8: {  	[smem:$0x3FAE] =	sst s0  }
0x9: {  	[smem:$0x3FAF] =	sst s1  }
0xa: {  	[smem:$0x3FB0] =	sst s2  }
0xb: {  	[smem:$0x3FB1] =	sst s3  }
0xc: {  	[smem:$0x3FB2] =	sst s4  }
0xd: {  	[smem:$0x3FB3] =	sst s5  }
0xe: {  	[smem:$0x3FB4] =	sst s6  }
0xf: {  	[smem:$0x3FB5] =	sst s7  }
0x10: {  	[smem:$0x3FB6] =	sst s8  }
0x11: {  	[smem:$0x3FB7] =	sst s9;
	s0 =	simm.s32 @!p0 $0x0  }
0x12: {  	s1 =	sld [smem:$0x3F9D];
	s0 =	simm.s32 @p0 $0x1  }
0x13: {  	[smem:$0x3FB8] =	sst s0;
	s0 =	simm.s32 @!p1 $0x0  }
0x14: {  	s2 =	sld [smem:$0x3F9C];
	s0 =	simm.s32 @p1 $0x1  }
0x15: {  	[smem:$0x3FB9] =	sst s0;
	s0 =	simm.s32 @!p2 $0x0  }
0x16: {  	s3 =	sld [smem:$0x3FDB];
	s0 =	simm.s32 @p2 $0x1  }
0x17: {  	s4 =	simm.s32 $0x1BF5;
	[smem:$0x3FBB] =	sst s0  }
0x18: {  	s0 =	sld [smem:$0x3F9E];
	_ =	swait.ge [sflag:s4], $0x0  }
0x19: {  	s7 =	sld [smem:$0x3F9F]  }
0x1a: {  	s8 =	sadd.s32 $0xFFFFE003, lr  }
0x1b: {  	s9 =	sadd.s32 $0xFFFFFEF7, lr;
	s5 =	simm.s32 $0xFFFFFFFF;
	p2 =	slt.u32 s8, $0xFFFFF086  }
0x1c: {  	p1 =	slt.u32 s9, $0xF7A;
	s5 =	simm.s32 @!p2 $0x0  }
0x1d: {  	s5 =	simm.s32 @p1 $0x1;
	p0 =	seq.s32 s7, s2  }
0x1e: {  	s7 =	smul.u32 @!p0 $0xF7A, s2;
	p2 =	seq.s32 @!p0 s5, $0x0  }
0x1f: {  	s9 =	smul.u32 $0xF7A, s1;
	s8 =	simm.s32 @!p0 $0x1BF5;
	p2 =	por !p2, p0  }
0x20: {  	[sflag:s8] =	ssyncset.s32 @!p0 $0xFFFFF086;
	s6 =	sadd.s32 @!p0 s3, s7;
	s7 =	simm.s32 @!p0 $0x108  }
0x21: {  	s3 =	sadd.s32 s3, s9;
	s6 =	sadd.s32 @!p0 $0x88, s6;
	s7 =	simm.s32 @p2 $0x1082  }
0x22: {  	[simem:s7], [sflag:s8] =	dma.local @!p0 [hbm:s6], $0xF7A  }
0x23: {  	s9 =	sor.u32 $0xD0000000, s2;
	s6 =	simm.s32 $0x108;
	_ =	swait.ge @!p0 [sflag:s8], $0x0  }
0x24: {  	s3 =	sadd.s32 $0x88, s3;
	s6 =	simm.s32 @!p1 $0x1082;
	[sflag:s4] =	ssyncset.s32 $0xFFFFF086  }
0x25: {  	[simem:s6], [sflag:s4] =	dma.local [hbm:s3], $0xF7A  }
0x26: {  	[smem:$0x3F9F] =	sst s1;
	(tag) =	ssettag s2;
	_ =	strace s9  }
0x27: {  	s1 =	sld [smem:$0x3FAF]  }
0x28: {  	s2 =	sld [smem:$0x3FB0]  }
0x29: {  	s4 =	sld [smem:$0x3FB2]  }
0x2a: {  	p0 =	seq.s32 s5, $0x0;
	s5 =	sld [smem:$0x3FB3]  }
0x2b: {  	s6 =	sld [smem:$0x3FB4]  }
0x2c: {  	s7 =	sld [smem:$0x3FB5]  }
0x2d: {  	s3 =	simm.s32 $0x108;
	s8 =	sld [smem:$0x3FB6]  }
0x2e: {  	s3 =	simm.s32 @!p0 $0x1082;
	s9 =	sld [smem:$0x3FB7]  }
0x2f: {  	lr =	sadd.s32 s0, s3;
	s0 =	sld [smem:$0x3FAE]  }
0x30: {  	s3 =	sld [smem:$0x3FB1]  }
0x31: {  	[smem:$0x3FBA] =	sst s10  }
0x32: {  	s10 =	sld [smem:$0x3FB8];
	_ =	sdelay $0x3  }
0x33: {  	p0 =	seq.s32 s10, $0x1;
	s10 =	sld [smem:$0x3FBA];
	_ =	sdelay $0x3  }
0x34: {  	[smem:$0x3FBA] =	sst s10  }
0x35: {  	s10 =	sld [smem:$0x3FB9];
	_ =	sdelay $0x3  }
0x36: {  	p1 =	seq.s32 s10, $0x1;
	s10 =	sld [smem:$0x3FBA];
	_ =	sdelay $0x3  }
0x37: {  	[smem:$0x3FBA] =	sst s10  }
0x38: {  	s10 =	sld [smem:$0x3FBB]  }
0x39: {  	_ = 	snop;
	(pc) =	sbr.ind lr, $3  }
0x3a: {  	_ = 	snop  }
0x3b: {  	_ = 	snop  }
0x3c: {  	p2 =	seq.s32 s10, $0x1;
	s10 =	sld [smem:$0x3FBA]  }
0x3d: {  	_ =	shalt  }
0x3e: {  	_ =	shalt  }
0x3f: {  	_ =	shalt  }
0x40: {  	_ =	shalt  }
0x41: {  	_ =	shalt  }
0x42: {  	_ =	shalt  }
0x43: {  	_ =	shalt  }
0x44: {  	_ =	shalt  }
0x45: {  	_ =	shalt  }
0x46: {  	_ =	shalt  }
0x47: {  	_ =	shalt  }
0x48: {  	_ =	shalt  }
0x49: {  	_ =	shalt  }
0x4a: {  	_ =	shalt  }
0x4b: {  	_ =	shalt  }
0x4c: {  	_ =	shalt  }
0x4d: {  	_ =	shalt  }
0x4e: {  	_ =	shalt  }
0x4f: {  	_ =	shalt  }
0x50: {  	_ =	shalt  }
0x51: {  	_ =	shalt  }
0x52: {  	_ =	shalt  }
0x53: {  	_ =	shalt  }
0x54: {  	_ =	shalt  }
0x55: {  	_ =	shalt  }
0x56: {  	_ =	shalt  }
0x57: {  	_ =	shalt  }
0x58: {  	_ =	shalt  }
0x59: {  	_ =	shalt  }
0x5a: {  	_ =	shalt  }
0x5b: {  	_ =	shalt  }
0x5c: {  	_ =	shalt  }
0x5d: {  	_ =	shalt  }
0x5e: {  	_ =	shalt  }
0x5f: {  	_ =	shalt  }
0x60: {  	_ =	shalt  }
0x61: {  	_ =	shalt  }
0x62: {  	_ =	shalt  }
0x63: {  	_ =	shalt  }
0x64: {  	_ =	shalt  }
0x65: {  	_ =	shalt  }
0x66: {  	_ =	shalt  }
0x67: {  	_ =	shalt  }
0x68: {  	_ =	shalt  }
0x69: {  	_ =	shalt  }
0x6a: {  	_ =	shalt  }
0x6b: {  	_ =	shalt  }
0x6c: {  	_ =	shalt  }
0x6d: {  	_ =	shalt  }
0x6e: {  	_ =	shalt  }
0x6f: {  	_ =	shalt  }
0x70: {  	_ =	shalt  }
0x71: {  	_ =	shalt  }
0x72: {  	_ =	shalt  }
0x73: {  	_ =	shalt  }
0x74: {  	_ =	shalt  }
0x75: {  	_ =	shalt  }
0x76: {  	_ =	shalt  }
0x77: {  	_ =	shalt  }
0x78: {  	_ =	shalt  }
0x79: {  	_ =	shalt  }
0x7a: {  	_ =	shalt  }
0x7b: {  	_ =	shalt  }
0x7c: {  	_ =	shalt  }
0x7d: {  	_ =	shalt  }
0x7e: {  	_ =	shalt  }
0x7f: {  	_ =	shalt  }
0x80: {  	_ =	shalt  }
0x81: {  	_ =	shalt  }
0x82: {  	_ =	shalt  }
0x83: {  	_ =	shalt  }
0x84: {  	_ =	shalt  }
0x85: {  	_ =	shalt  }
0x86: {  	_ =	shalt  }
0x87: {  	_ =	shalt  }
.Lfunc_end0:
.L_simem_size_0:
called_computation_lowered:
.L_overlay_start_0:
0x88: {  	s2 =	sld [smem:$0x3FD9]  }
0x89: {  	s3 =	sld [smem:$0x3FFE];
	_ =	sdelay $0x1  }
0x8a: {  	s1 =	srdreg.scid  }
0x8b: {  	s0 =	sand.u32 $0x1, s1  }
0x8c: {  	s17 =	sshll.u32 s0, $0xA;
	s2 =	sadd.s32 s3, s2  }
0x8d: {  	s2 =	sadd.s32 s2, s17  }
0x8e: {  	[smem:$0x3FC6] =	sst s2  }
0x8f: {  	_ = 	snop  }
0x90: {  	s2 =	sld [smem:$0x3FC8]  }
0x91: {  	s18 =	sld [smem:$0x3FD0];
	(tm) =	ssettm $0x1  }
0x92: {  	s4 =	sld [smem:$0x3FFB];
	_ =	sdelay $0x3  }
0x93: {  	_ =	strace s4  }
0x94: {  	s4 =	sld [smem:$0x3FFC];
	_ =	sdelay $0x3  }
0x95: {  	_ =	strace s4  }
0x96: {  	s4 =	sld [smem:$0x3FFD];
	_ =	sdelay $0x3  }
0x97: {  	_ =	strace s4  }
0x98: {  	_ =	strace $0x8FFFFFFF  }
0x99: {  	s19 =	sld [smem:$0x3FDB];
	_ =	sdelay $0x1  }
0x9a: {  	s5 =	simm.s32 $_scs_section_size  }
0x9b: {  	s6 =	simm.s32 $_size__tile_overlayer_lowered;
	s7 =	simm.s32 $_tile_overlayer_lowered  }
0x9c: {  	s22 =	simm.s32 $0x1BFF;
	s21 =	sshll.u32 s7, $0x1;
	s4 =	sadd.s32 s5, s19  }
0x9d: {  	s8 =	simm.s32 $0x0;
	s20 =	sshll.u32 s6, $0x1;
	s6 =	sadd.s32 s21, s4  }
0x9e: {  	[timem:s8], [sflag:s22] =	dma.local [hbm:s6], s20  }
0x9f: {  	_ =	swait.ge [sflag:s22], s20  }
0xa0: {  	s5 =	ssub.s32 $0x0, s20;
	[sflag:s22] =	ssyncset.done $0x0  }
0xa1: {  	[sflag:s22] =	ssyncadd.s32 s5;
	_ =	sdelay $0x1  }
0xa2: {  	s23 =	simm.s32 $0x1B8B  }
0xa3: {  	_ =	swait.ge [sflag:s23], $0x1  }
0xa4: {  	[sflag:s23] =	ssyncset.done $0x0  }
0xa5: {  	s25 =	simm.s32 $0x1B8E;
	s24 =	sld [smem:$0x3FFE];
	[sflag:s23] =	ssyncadd.s32 $0xFFFFFFFF  }
0xa6: {  	s26 =	simm.s32 $execute0_lowered;
	[smem:$0x3FD2] =	sst s25  }
0xa7: {  	s6 =	sshll.u32 s26, $0x1;
	_ =	strace $0x80000046;
	[dreg:$0x1] =	wrdreg $0xFFFFFFFF  }
0xa8: {  	s28 =	simm.s32 $_size_execute0_lowered;
	s4 =	sadd.s32 s4, s6;
	[dreg:$0x0] =	wrdreg $0x0  }
0xa9: {  	s6 =	sshll.u32 s28, $0x1;
	[dreg:$0x2] =	wrdreg s4  }
0xaa: {  	[dreg:$0x3] =	wrdreg s6  }
0xab: {  	[dreg:$0x4] =	wrdreg $0xC0  }
0xac: {  	_ =	task [dreg:s8], $0x5FFFF  }
0xad: {  	[dreg:$0x1] =	wrdreg $0xFFFFFFFF  }
0xae: {  	[dreg:$0x0] =	wrdreg $0x60  }
0xaf: {  	[dreg:$0x2] =	wrdreg s2  }
0xb0: {  	[dreg:$0x3] =	wrdreg s24  }
0xb1: {  	[dreg:$0x4] =	wrdreg s18  }
0xb2: {  	[dreg:$0x5] =	wrdreg $0x9  }
0xb3: {  	_ =	task.clear_ibuf [dreg:s8], $0x6FFFF;
	_ =	strace $0x90000046  }
0xb4: {  	s29 =	simm.s32 $0x9;
	_ =	strace $0x80000048  }
0xb5: {  	_ =	swait.ge [sflag:s29], $0x1  }
0xb6: {  	[sflag:s29] =	ssyncadd.s32 $0xFFFFFFFF  }
0xb7: {  	_ =	strace $0x90000048  }
0xb8: {  	_ =	sfence  }
0xb9: {  	s30 =	sld [smem:$0x0];
	_ =	sdelay $0x2  }
0xba: {  	s31 =	sshll.u32 s1, $0xD;
	s1 =	sshrl.u32 s1, $0x2  }
0xbb: {  	s3 =	sand.u32 $0x4000, s31;
	s1 =	sadd.s32 s1, s30  }
0xbc: {  	s0 =	sor.u32 s3, s0;
	s1 =	sshll.u32 s1, $0x11  }
0xbd: {  	s0 =	sor.u32 s1, s0  }
0xbe: {  	s0 =	sadd.s32 $0x8F2B, s0  }
0xbf: {  	[sflag:s0] =	ssyncadd.remote.s32 $0x1  }
0xc0: {  	_ =	sfence.sel $0xFFFF  }
0xc1: {  	[dreg:$0x0] =	wrdreg $0xFFFFFFFF;
	(pc) =	sbr.abs _section_cstart, $3  }
0xc2: {  	[dreg:$0x1] =	wrdreg $0xFFFFFFFF  }
0xc3: {  	_ =	task.clear_ibuf [dreg:s8], $0x2FFFF;
	_ =	strace $0x9FFFFFFF  }
0xc4: {  	(tm) =	ssettm $0x7FFFFFFF  }
0xc5: {  	_ =	shalt  }
tec
execute0_lowered:
.L_overlay_start_1:
0x0: {  	(tag) =	ssettag $0x1  }
0x1: {  	s1 =	rddreg [dreg:$0x0]  }
0x2: {  	s4 =	rddreg [dreg:$0x1]  }
0x3: {  	s5 =	rddreg [dreg:$0x2];
	s3 =	simm.s32 $0x0  }
0x4: {  	s12 =	simm.s32 $0x1800;
	[smem:$0x7FF] =	sst s3  }
0x5: {  	s13 =	simm.s32 $0x2000;
	_ =	strace $0x80000047;
	[dreg:$0x8] =	wrdreg s12  }
0x6: {  	s14 =	simm.s32 $0x2800;
	[dreg:$0x9] =	wrdreg s13  }
0x7: {  	s15 =	simm.s32 $0x3000;
	[dreg:$0xa] =	wrdreg s14  }
0x8: {  	s16 =	simm.s32 $0x3800;
	[dreg:$0xb] =	wrdreg s15  }
0x9: {  	s17 =	simm.s32 $0x4000;
	[dreg:$0xc] =	wrdreg s16  }
0xa: {  	s18 =	simm.s32 $0x4800;
	[dreg:$0xd] =	wrdreg s17  }
0xb: {  	s19 =	simm.s32 $0x5000;
	[dreg:$0xe] =	wrdreg s18  }
0xc: {  	s20 =	simm.s32 $0x5800;
	[dreg:$0xf] =	wrdreg s19  }
0xd: {  	s21 =	simm.s32 $0x6000;
	[dreg:$0x10] =	wrdreg s20  }
0xe: {  	s22 =	simm.s32 $0x6800;
	[dreg:$0x11] =	wrdreg s21  }
0xf: {  	s23 =	simm.s32 $0x7800;
	[dreg:$0x12] =	wrdreg s22  }
0x10: {  	s24 =	simm.s32 $0x8000;
	[dreg:$0x13] =	wrdreg s23  }
0x11: {  	s25 =	simm.s32 $0x8800;
	[dreg:$0x14] =	wrdreg s24  }
0x12: {  	s26 =	simm.s32 $0x9000;
	[dreg:$0x15] =	wrdreg s25  }
0x13: {  	s0 =	stileid.u32;
	s31 =	simm.s32 $0x9800;
	[dreg:$0x16] =	wrdreg s26  }
0x14: {  	s6 =	sshll.u32 s0, $0xD;
	s0 =	simm.s32 $0xA000;
	[dreg:$0x17] =	wrdreg s31  }
0x15: {  	[dreg:$0x18] =	wrdreg s0;
	s12 =	simm.s32 $0xD800  }
0x16: {  	s13 =	simm.s32 $0xE000;
	[dreg:$0x1e] =	wrdreg s12  }
0x17: {  	s14 =	simm.s32 $0xE800;
	[dreg:$0x1f] =	wrdreg s13  }
0x18: {  	s16 =	simm.s32 $0xF000;
	[smem:$0x7F1] =	sst s14  }
0x19: {  	s17 =	simm.s32 $0xF800;
	[smem:$0x7F2] =	sst s16  }
0x1a: {  	s19 =	simm.s32 $0x10000;
	[smem:$0x7F4] =	sst s17  }
0x1b: {  	s2 =	srdreg.scid;
	s20 =	simm.s32 $0x10800;
	[smem:$0x7F5] =	sst s19  }
0x1c: {  	s28 =	simm.s32 $0x7;
	s21 =	simm.s32 $0x11000;
	[smem:$0x7F6] =	sst s20  }
0x1d: {  	s29 =	simm.s32 $0x8;
	s22 =	simm.s32 $0x11800;
	[smem:$0x7F7] =	sst s21  }
0x1e: {  	s30 =	simm.s32 $0x0;
	s23 =	simm.s32 $0x12000;
	[smem:$0x7F8] =	sst s22  }
0x1f: {  	s2 =	sand.u32 $0x1, s2;
	s24 =	simm.s32 $0x12800;
	[smem:$0x7F9] =	sst s23  }
0x20: {  	s7 =	sshll.u32 s2, $0xC;
	s25 =	simm.s32 $0x13800;
	[smem:$0x7FA] =	sst s24  }
0x21: {  	s2 =	ssub.s32 $0x2, s2;
	s26 =	simm.s32 $0x14000;
	[smem:$0x7FB] =	sst s25  }
0x22: {  	s31 =	simm.s32 $0x14800;
	s6 =	sor.u32 s7, s6;
	[smem:$0x7FC] =	sst s26  }
0x23: {  	s15 =	sshrl.u32 s2, $0x1;
	s12 =	simm.s32 $0x13000;
	[smem:$0x7FD] =	sst s31  }
0x24: {  	s13 =	simm.s32 $0x15000;
	s14 =	simm.s32 $0x15800;
	s16 =	simm.s32 $0x16800  }
0x25: {  	s17 =	simm.s32 $0x17000;
	s19 =	simm.s32 $0x18000;
	s20 =	simm.s32 $0x18800  }
0x26: {  	s21 =	simm.s32 $0x1;
	s22 =	simm.s32 $0x2;
	s23 =	simm.s32 $0x3  }
0x27: {  	s24 =	simm.s32 $0x4;
	s7 =	sor.u32 $0x60, s6;
	s8 =	sshrl.u32 s6, $0x3  }
0x28: {  	s9 =	sor.u32 $0x40, s6;
	s6 =	sor.u32 $0x20, s6;
	s7 =	sshrl.u32 s7, $0x3  }
0x29: {  	s10 =	smul.u32 $0x300, s8;
	s9 =	sshrl.u32 s9, $0x3;
	s4 =	sadd.s32 s8, s4  }
0x2a: {  	s6 =	sshrl.u32 s6, $0x3;
	s7 =	smul.u32 $0x300, s7;
	s18 =	sadd.s32 $0x400, s4  }
0x2b: {  	s9 =	smul.u32 $0x300, s9;
	s10 =	sadd.s32 s10, s5;
	[smem:$0x7F3] =	sst s18  }
0x2c: {  	s6 =	smul.u32 $0x300, s6;
	s7 =	sadd.s32 s7, s5;
	[dreg:$0x5] =	wrdreg s10  }
0x2d: {  	s25 =	simm.s32 $0x5;
	s11 =	sadd.s32 s9, s5;
	[dreg:$0x4] =	wrdreg s7  }
0x2e: {  	s26 =	simm.s32 $0x6;
	s5 =	sadd.s32 s6, s5;
	[dreg:$0x6] =	wrdreg s11  }
0x2f: {  	s2 =	ssub.s32 s2, s15;
	s6 =	simm.s32 $0xA800;
	[dreg:$0x7] =	wrdreg s5  }
0x30: {  	s15 =	simm.s32 $0x16000;
	s9 =	simm.s32 $0xB800;
	[dreg:$0x19] =	wrdreg s6  }
0x31: {  	s8 =	simm.s32 $0x9;
	s10 =	simm.s32 $0xC000;
	[dreg:$0x1b] =	wrdreg s9  }
0x32: {  	s18 =	simm.s32 $0x17800;
	s7 =	simm.s32 $0xB000;
	[dreg:$0x1c] =	wrdreg s10  }
0x33: {  	v2 =	vlaneseq.u32;
	s11 =	simm.s32 $0xC800;
	s5 =	sadd.s32 $0x100, s1;
	s6 =	sadd.s32 $0x200, s1  }
0x34: {  	vm0 =	vmmov $0xffff;
	v1 =	vshrl.u32 v2, $0x3;
	s9 =	simm.s32 $0x1000;
	s10 =	simm.s32 $0x7000;
	[dreg:$0x1a] =	wrdreg s7  }
0x35: {  	v0 =	vand.u32 $0x7, v2;
	v2 =	vor.u32 $0x8, v2;
	v1 =	vmul.u32 $0x8, v1;
	[dreg:$0x1d] =	wrdreg s11;
	s7 =	smax.u32 s2, $0x1;
	s11 =	simm.s32 $0xD000  }
.LBB2_1:
0x36: {  	s0 =	sld [smem:$0x7F3];
	_ =	sdelay $0x2  }
0x37: {  	[tilespmem:s3], [sflag:$0x9] =	stream.linear.gather [hbm4b:s0+s3], $0x1000, $0x38;
	[tilespmem:$0x19000] =	vst v63  }
0x38: {  	_ =	swait.ge [sflag:s8], $0x1000  }
0x39: {  	[sflag:s8] =	ssyncset.done $0x0  }
0x3a: {  	s31 =	simm.s32 $0x40;
	s2 =	simm.s32 $0x0;
	[sflag:s8] =	ssyncadd.s32 $0xFFFFF000  }
.LBB2_2:
0x3b: {  	p0 =	seq.s32 s2, $0x0  }
0x3c: {  	s0 =	simm.s32 @!p0 $0x5  }
0x3d: {  	_ =	swait.ge @!p0 [sflag:s0], $0x6000  }
0x3e: {  	[sflag:s0] =	ssyncset.done @!p0 $0x0  }
0x3f: {  	[sflag:s0] =	ssyncadd.s32 @!p0 $0xFFFFA000  }
0x40: {  	v3 =	vld [tilespmem:s31+$0xFFFFFFC0];
	_ =	sdelay $0x4  }
0x41: {  	v4 =	vshrl.u32 v3, $0x3  }
0x42: {  	v4 =	vmul.u32 $0x30, v4  }
0x43: {  	v3 =	vand.u32 $0x7, v3  }
0x44: {  	v3 =	vor.u32 v3, v4  }
0x45: {  	v4 =	vperm.xlane v3, v0;
	_ =	sdelay $0x1  }
0x46: {  	v4 =	vadd.s32 v1, v4;
	_ =	sdelay $0x3  }
0x47: {  	v3 =	vperm.xlane v3, v2  }
0x48: {  	[tilespmem:s9], [sflag:$0x1] =	stream.indirect_vreg.gather [hbm4b:s1+s3], $0x80, v4, vm0, $0xb8;
	[tilespmem:$0x19000] =	vst v63  }
0x49: {  	s0 =	rddreg [dreg:$0x8];
	v3 =	vadd.s32 v1, v3  }
0x4a: {  	[tilespmem:s0], [sflag:$0x1] =	stream.indirect_vreg.gather [hbm4b:s5+s3], $0x80, v4, vm0, $0xb8;
	[tilespmem:$0x19000] =	vst v63  }
0x4b: {  	s4 =	rddreg [dreg:$0x9]  }
0x4c: {  	[tilespmem:s4], [sflag:$0x1] =	stream.indirect_vreg.gather [hbm4b:s6+s3], $0x80, v4, vm0, $0xb8;
	[tilespmem:$0x19000] =	vst v63  }
0x4d: {  	s0 =	rddreg [dreg:$0xa]  }
0x4e: {  	[tilespmem:s0], [sflag:$0x1] =	stream.indirect_vreg.gather [hbm4b:s1+s3], $0x80, v3, vm0, $0xb8;
	[tilespmem:$0x19000] =	vst v63  }
0x4f: {  	s4 =	rddreg [dreg:$0xb]  }
0x50: {  	[tilespmem:s4], [sflag:$0x1] =	stream.indirect_vreg.gather [hbm4b:s5+s3], $0x80, v3, vm0, $0xb8;
	[tilespmem:$0x19000] =	vst v63  }
0x51: {  	s0 =	rddreg [dreg:$0xc]  }
0x52: {  	[tilespmem:s0], [sflag:$0x1] =	stream.indirect_vreg.gather [hbm4b:s6+s3], $0x80, v3, vm0, $0xb8;
	[tilespmem:$0x19000] =	vst v63  }
0x53: {  	v3 =	vld [tilespmem:s31+$0xFFFFFFD0];
	_ =	sdelay $0x4  }
0x54: {  	v57 =	vshrl.u32 v3, $0x3  }
0x55: {  	v4 =	vmul.u32 $0x30, v57  }
0x56: {  	v3 =	vand.u32 $0x7, v3  }
0x57: {  	v3 =	vor.u32 v3, v4  }
0x58: {  	v4 =	vperm.xlane v3, v0;
	_ =	sdelay $0x1  }
0x59: {  	v4 =	vadd.s32 v1, v4;
	_ =	sdelay $0x3  }
0x5a: {  	s0 =	rddreg [dreg:$0xd];
	v3 =	vperm.xlane v3, v2  }
0x5b: {  	[tilespmem:s0], [sflag:$0x1] =	stream.indirect_vreg.gather [hbm4b:s1+s3], $0x80, v4, vm0, $0xb8;
	[tilespmem:$0x19000] =	vst v63  }
0x5c: {  	s4 =	rddreg [dreg:$0xe];
	v3 =	vadd.s32 v1, v3  }
0x5d: {  	[tilespmem:s4], [sflag:$0x1] =	stream.indirect_vreg.gather [hbm4b:s5+s3], $0x80, v4, vm0, $0xb8;
	[tilespmem:$0x19000] =	vst v63  }
0x5e: {  	s0 =	rddreg [dreg:$0xf]  }
0x5f: {  	[tilespmem:s0], [sflag:$0x1] =	stream.indirect_vreg.gather [hbm4b:s6+s3], $0x80, v4, vm0, $0xb8;
	[tilespmem:$0x19000] =	vst v63  }
0x60: {  	s4 =	rddreg [dreg:$0x10]  }
0x61: {  	[tilespmem:s4], [sflag:$0x1] =	stream.indirect_vreg.gather [hbm4b:s1+s3], $0x80, v3, vm0, $0xb8;
	[tilespmem:$0x19000] =	vst v63  }
0x62: {  	s0 =	rddreg [dreg:$0x11]  }
0x63: {  	[tilespmem:s0], [sflag:$0x1] =	stream.indirect_vreg.gather [hbm4b:s5+s3], $0x80, v3, vm0, $0xb8;
	[tilespmem:$0x19000] =	vst v63  }
0x64: {  	s4 =	rddreg [dreg:$0x12];
	s0 =	simm.s32 @!p0 $0x6  }
0x65: {  	[tilespmem:s4], [sflag:$0x1] =	stream.indirect_vreg.gather [hbm4b:s6+s3], $0x80, v3, vm0, $0xb8;
	[tilespmem:$0x19000] =	vst v63  }
0x66: {  	_ =	swait.ge @!p0 [sflag:s0], $0x6000  }
0x67: {  	[sflag:s0] =	ssyncset.done @!p0 $0x0  }
0x68: {  	[sflag:s0] =	ssyncadd.s32 @!p0 $0xFFFFA000  }
0x69: {  	v3 =	vld [tilespmem:s31+$0xFFFFFFE0];
	_ =	sdelay $0x4  }
0x6a: {  	v58 =	vshrl.u32 v3, $0x3  }
0x6b: {  	v4 =	vmul.u32 $0x30, v58  }
0x6c: {  	v3 =	vand.u32 $0x7, v3  }
0x6d: {  	v3 =	vor.u32 v3, v4  }
0x6e: {  	v4 =	vperm.xlane v3, v0;
	_ =	sdelay $0x1  }
0x6f: {  	v4 =	vadd.s32 v1, v4;
	_ =	sdelay $0x3  }
0x70: {  	v3 =	vperm.xlane v3, v2  }
0x71: {  	[tilespmem:s10], [sflag:$0x2] =	stream.indirect_vreg.gather [hbm4b:s1+s3], $0x80, v4, vm0, $0xb8;
	[tilespmem:$0x19000] =	vst v63  }
0x72: {  	s0 =	rddreg [dreg:$0x13];
	v3 =	vadd.s32 v1, v3  }
0x73: {  	[tilespmem:s0], [sflag:$0x2] =	stream.indirect_vreg.gather [hbm4b:s5+s3], $0x80, v4, vm0, $0xb8;
	[tilespmem:$0x19000] =	vst v63  }
0x74: {  	s4 =	rddreg [dreg:$0x14]  }
0x75: {  	[tilespmem:s4], [sflag:$0x2] =	stream.indirect_vreg.gather [hbm4b:s6+s3], $0x80, v4, vm0, $0xb8;
	[tilespmem:$0x19000] =	vst v63  }
0x76: {  	s0 =	rddreg [dreg:$0x15]  }
0x77: {  	[tilespmem:s0], [sflag:$0x2] =	stream.indirect_vreg.gather [hbm4b:s1+s3], $0x80, v3, vm0, $0xb8;
	[tilespmem:$0x19000] =	vst v63  }
0x78: {  	s4 =	rddreg [dreg:$0x16]  }
0x79: {  	[tilespmem:s4], [sflag:$0x2] =	stream.indirect_vreg.gather [hbm4b:s5+s3], $0x80, v3, vm0, $0xb8;
	[tilespmem:$0x19000] =	vst v63  }
0x7a: {  	s0 =	rddreg [dreg:$0x17]  }
0x7b: {  	[tilespmem:s0], [sflag:$0x2] =	stream.indirect_vreg.gather [hbm4b:s6+s3], $0x80, v3, vm0, $0xb8;
	[tilespmem:$0x19000] =	vst v63  }
0x7c: {  	v3 =	vld [tilespmem:s31+$0xFFFFFFF0];
	_ =	sdelay $0x4  }
0x7d: {  	v59 =	vshrl.u32 v3, $0x3  }
0x7e: {  	v4 =	vmul.u32 $0x30, v59  }
0x7f: {  	v3 =	vand.u32 $0x7, v3  }
0x80: {  	v3 =	vor.u32 v3, v4  }
0x81: {  	v4 =	vperm.xlane v3, v0;
	_ =	sdelay $0x1  }
0x82: {  	v4 =	vadd.s32 v1, v4;
	_ =	sdelay $0x3  }
0x83: {  	s0 =	rddreg [dreg:$0x18];
	v3 =	vperm.xlane v3, v2  }
0x84: {  	[tilespmem:s0], [sflag:$0x2] =	stream.indirect_vreg.gather [hbm4b:s1+s3], $0x80, v4, vm0, $0xb8;
	[tilespmem:$0x19000] =	vst v63  }
0x85: {  	s4 =	rddreg [dreg:$0x19];
	v3 =	vadd.s32 v1, v3  }
0x86: {  	[tilespmem:s4], [sflag:$0x2] =	stream.indirect_vreg.gather [hbm4b:s5+s3], $0x80, v4, vm0, $0xb8;
	[tilespmem:$0x19000] =	vst v63  }
0x87: {  	s0 =	rddreg [dreg:$0x1a]  }
0x88: {  	[tilespmem:s0], [sflag:$0x2] =	stream.indirect_vreg.gather [hbm4b:s6+s3], $0x80, v4, vm0, $0xb8;
	[tilespmem:$0x19000] =	vst v63  }
0x89: {  	s4 =	rddreg [dreg:$0x1b]  }
0x8a: {  	[tilespmem:s4], [sflag:$0x2] =	stream.indirect_vreg.gather [hbm4b:s1+s3], $0x80, v3, vm0, $0xb8;
	[tilespmem:$0x19000] =	vst v63  }
0x8b: {  	s0 =	rddreg [dreg:$0x1c]  }
0x8c: {  	[tilespmem:s0], [sflag:$0x2] =	stream.indirect_vreg.gather [hbm4b:s5+s3], $0x80, v3, vm0, $0xb8;
	[tilespmem:$0x19000] =	vst v63  }
0x8d: {  	s4 =	rddreg [dreg:$0x1d];
	s0 =	simm.s32 @!p0 $0x7  }
0x8e: {  	[tilespmem:s4], [sflag:$0x2] =	stream.indirect_vreg.gather [hbm4b:s6+s3], $0x80, v3, vm0, $0xb8;
	[tilespmem:$0x19000] =	vst v63  }
0x8f: {  	_ =	swait.ge @!p0 [sflag:s0], $0x6000  }
0x90: {  	[sflag:s0] =	ssyncset.done @!p0 $0x0  }
0x91: {  	[sflag:s0] =	ssyncadd.s32 @!p0 $0xFFFFA000  }
0x92: {  	v3 =	vld [tilespmem:s31+$0x0];
	_ =	sdelay $0x4  }
0x93: {  	v60 =	vshrl.u32 v3, $0x3  }
0x94: {  	v4 =	vmul.u32 $0x30, v60  }
0x95: {  	v3 =	vand.u32 $0x7, v3  }
0x96: {  	v3 =	vor.u32 v3, v4  }
0x97: {  	v4 =	vperm.xlane v3, v0;
	_ =	sdelay $0x1  }
0x98: {  	v4 =	vadd.s32 v1, v4;
	_ =	sdelay $0x3  }
0x99: {  	s4 =	rddreg [dreg:$0x1f];
	v3 =	vperm.xlane v3, v2  }
0x9a: {  	[tilespmem:s11], [sflag:$0x3] =	stream.indirect_vreg.gather [hbm4b:s1+s3], $0x80, v4, vm0, $0xb8;
	[tilespmem:$0x19000] =	vst v63  }
0x9b: {  	s0 =	rddreg [dreg:$0x1e];
	v3 =	vadd.s32 v1, v3  }
0x9c: {  	[tilespmem:s0], [sflag:$0x3] =	stream.indirect_vreg.gather [hbm4b:s5+s3], $0x80, v4, vm0, $0xb8;
	[tilespmem:$0x19000] =	vst v63  }
0x9d: {  	s0 =	sld [smem:$0x7F1]  }
0x9e: {  	[tilespmem:s4], [sflag:$0x3] =	stream.indirect_vreg.gather [hbm4b:s6+s3], $0x80, v4, vm0, $0xb8;
	[tilespmem:$0x19000] =	vst v63  }
0x9f: {  	s4 =	sld [smem:$0x7F2]  }
0xa0: {  	[tilespmem:s0], [sflag:$0x3] =	stream.indirect_vreg.gather [hbm4b:s1+s3], $0x80, v3, vm0, $0xb8;
	[tilespmem:$0x19000] =	vst v63  }
0xa1: {  	s0 =	sld [smem:$0x7F4]  }
0xa2: {  	[tilespmem:s4], [sflag:$0x3] =	stream.indirect_vreg.gather [hbm4b:s5+s3], $0x80, v3, vm0, $0xb8;
	[tilespmem:$0x19000] =	vst v63  }
0xa3: {  	_ = 	snop  }
0xa4: {  	[tilespmem:s0], [sflag:$0x3] =	stream.indirect_vreg.gather [hbm4b:s6+s3], $0x80, v3, vm0, $0xb8;
	[tilespmem:$0x19000] =	vst v63  }
0xa5: {  	v3 =	vld [tilespmem:s31+$0x10];
	_ =	sdelay $0x4  }
0xa6: {  	v61 =	vshrl.u32 v3, $0x3  }
0xa7: {  	v4 =	vmul.u32 $0x30, v61  }
0xa8: {  	v3 =	vand.u32 $0x7, v3  }
0xa9: {  	v3 =	vor.u32 v3, v4  }
0xaa: {  	v4 =	vperm.xlane v3, v0;
	_ =	sdelay $0x1  }
0xab: {  	v4 =	vadd.s32 v1, v4;
	_ =	sdelay $0x1  }
0xac: {  	s0 =	sld [smem:$0x7F5];
	_ =	sdelay $0x1  }
0xad: {  	s4 =	sld [smem:$0x7F6];
	v3 =	vperm.xlane v3, v2  }
0xae: {  	[tilespmem:s0], [sflag:$0x3] =	stream.indirect_vreg.gather [hbm4b:s1+s3], $0x80, v4, vm0, $0xb8;
	[tilespmem:$0x19000] =	vst v63  }
0xaf: {  	v3 =	vadd.s32 v1, v3;
	s0 =	sld [smem:$0x7F7]  }
0xb0: {  	[tilespmem:s4], [sflag:$0x3] =	stream.indirect_vreg.gather [hbm4b:s5+s3], $0x80, v4, vm0, $0xb8;
	[tilespmem:$0x19000] =	vst v63  }
0xb1: {  	s4 =	sld [smem:$0x7F8]  }
0xb2: {  	[tilespmem:s0], [sflag:$0x3] =	stream.indirect_vreg.gather [hbm4b:s6+s3], $0x80, v4, vm0, $0xb8;
	[tilespmem:$0x19000] =	vst v63  }
0xb3: {  	s0 =	sld [smem:$0x7F9]  }
0xb4: {  	[tilespmem:s4], [sflag:$0x3] =	stream.indirect_vreg.gather [hbm4b:s1+s3], $0x80, v3, vm0, $0xb8;
	[tilespmem:$0x19000] =	vst v63  }
0xb5: {  	s4 =	sld [smem:$0x7FA]  }
0xb6: {  	[tilespmem:s0], [sflag:$0x3] =	stream.indirect_vreg.gather [hbm4b:s5+s3], $0x80, v3, vm0, $0xb8;
	[tilespmem:$0x19000] =	vst v63  }
0xb7: {  	s0 =	simm.s32 @!p0 $0x8  }
0xb8: {  	[tilespmem:s4], [sflag:$0x3] =	stream.indirect_vreg.gather [hbm4b:s6+s3], $0x80, v3, vm0, $0xb8;
	[tilespmem:$0x19000] =	vst v63  }
0xb9: {  	_ =	swait.ge @!p0 [sflag:s0], $0x6000  }
0xba: {  	[sflag:s0] =	ssyncset.done @!p0 $0x0  }
0xbb: {  	[sflag:s0] =	ssyncadd.s32 @!p0 $0xFFFFA000  }
0xbc: {  	v3 =	vld [tilespmem:s31+$0x20];
	_ =	sdelay $0x4  }
0xbd: {  	v62 =	vshrl.u32 v3, $0x3  }
0xbe: {  	v4 =	vmul.u32 $0x30, v62  }
0xbf: {  	v3 =	vand.u32 $0x7, v3  }
0xc0: {  	v3 =	vor.u32 v3, v4  }
0xc1: {  	v4 =	vperm.xlane v3, v0;
	_ =	sdelay $0x1  }
0xc2: {  	v4 =	vadd.s32 v1, v4;
	_ =	sdelay $0x3  }
0xc3: {  	s0 =	sld [smem:$0x7FB];
	v3 =	vperm.xlane v3, v2  }
0xc4: {  	[tilespmem:s12], [sflag:$0x4] =	stream.indirect_vreg.gather [hbm4b:s1+s3], $0x80, v4, vm0, $0xb8;
	[tilespmem:$0x19000] =	vst v63  }
0xc5: {  	s4 =	sld [smem:$0x7FC];
	v3 =	vadd.s32 v1, v3  }
0xc6: {  	[tilespmem:s0], [sflag:$0x4] =	stream.indirect_vreg.gather [hbm4b:s5+s3], $0x80, v4, vm0, $0xb8;
	[tilespmem:$0x19000] =	vst v63  }
0xc7: {  	s0 =	sld [smem:$0x7FD]  }
0xc8: {  	[tilespmem:s4], [sflag:$0x4] =	stream.indirect_vreg.gather [hbm4b:s6+s3], $0x80, v4, vm0, $0xb8;
	[tilespmem:$0x19000] =	vst v63  }
0xc9: {  	_ = 	snop  }
0xca: {  	[tilespmem:s0], [sflag:$0x4] =	stream.indirect_vreg.gather [hbm4b:s1+s3], $0x80, v3, vm0, $0xb8;
	[tilespmem:$0x19000] =	vst v63  }
0xcb: {  	_ = 	snop  }
0xcc: {  	[tilespmem:s13], [sflag:$0x4] =	stream.indirect_vreg.gather [hbm4b:s5+s3], $0x80, v3, vm0, $0xb8;
	[tilespmem:$0x19000] =	vst v63  }
0xcd: {  	_ = 	snop  }
0xce: {  	[tilespmem:s14], [sflag:$0x4] =	stream.indirect_vreg.gather [hbm4b:s6+s3], $0x80, v3, vm0, $0xb8;
	[tilespmem:$0x19000] =	vst v63  }
0xcf: {  	v3 =	vld [tilespmem:s31+$0x30];
	_ =	sdelay $0x4  }
0xd0: {  	v63 =	vshrl.u32 v3, $0x3  }
0xd1: {  	v4 =	vmul.u32 $0x30, v63  }
0xd2: {  	v3 =	vand.u32 $0x7, v3  }
0xd3: {  	v3 =	vor.u32 v3, v4  }
0xd4: {  	v4 =	vperm.xlane v3, v0;
	_ =	sdelay $0x1  }
0xd5: {  	v4 =	vadd.s32 v1, v4;
	_ =	sdelay $0x3  }
0xd6: {  	v3 =	vperm.xlane v3, v2  }
0xd7: {  	[tilespmem:s15], [sflag:$0x4] =	stream.indirect_vreg.gather [hbm4b:s1+s3], $0x80, v4, vm0, $0xb8;
	[tilespmem:$0x19000] =	vst v63  }
0xd8: {  	v3 =	vadd.s32 v1, v3  }
0xd9: {  	[tilespmem:s16], [sflag:$0x4] =	stream.indirect_vreg.gather [hbm4b:s5+s3], $0x80, v4, vm0, $0xb8;
	[tilespmem:$0x19000] =	vst v63  }
0xda: {  	_ = 	snop  }
0xdb: {  	[tilespmem:s17], [sflag:$0x4] =	stream.indirect_vreg.gather [hbm4b:s6+s3], $0x80, v4, vm0, $0xb8;
	[tilespmem:$0x19000] =	vst v63  }
0xdc: {  	_ = 	snop  }
0xdd: {  	[tilespmem:s18], [sflag:$0x4] =	stream.indirect_vreg.gather [hbm4b:s1+s3], $0x80, v3, vm0, $0xb8;
	[tilespmem:$0x19000] =	vst v63  }
0xde: {  	_ = 	snop  }
0xdf: {  	[tilespmem:s19], [sflag:$0x4] =	stream.indirect_vreg.gather [hbm4b:s5+s3], $0x80, v3, vm0, $0xb8;
	[tilespmem:$0x19000] =	vst v63  }
0xe0: {  	_ = 	snop  }
0xe1: {  	[tilespmem:s20], [sflag:$0x4] =	stream.indirect_vreg.gather [hbm4b:s6+s3], $0x80, v3, vm0, $0xb8;
	[tilespmem:$0x19000] =	vst v63  }
0xe2: {  	_ =	swait.ge [sflag:s21], $0x6000  }
0xe3: {  	s4 =	rddreg [dreg:$0x5];
	[sflag:s21] =	ssyncset.done $0x0  }
0xe4: {  	[sflag:s21] =	ssyncadd.s32 $0xFFFFA000;
	s0 =	sadd.s32 s2, s4  }
0xe5: {  	[hbm4b:s0+s3] =	stream.linear.scatter [tilespmem:s9], [sflag:$0x5], $0x6000, $0x38;
	[tilespmem:$0x19000] =	vst v63  }
0xe6: {  	_ =	swait.ge [sflag:s22], $0x6000  }
0xe7: {  	s4 =	rddreg [dreg:$0x7];
	[sflag:s22] =	ssyncset.done $0x0  }
0xe8: {  	[sflag:s22] =	ssyncadd.s32 $0xFFFFA000;
	s0 =	sadd.s32 s2, s4  }
0xe9: {  	[hbm4b:s0+s3] =	stream.linear.scatter [tilespmem:s10], [sflag:$0x6], $0x6000, $0x38;
	[tilespmem:$0x19000] =	vst v63  }
0xea: {  	_ =	swait.ge [sflag:s23], $0x6000  }
0xeb: {  	s4 =	rddreg [dreg:$0x6];
	[sflag:s23] =	ssyncset.done $0x0  }
0xec: {  	[sflag:s23] =	ssyncadd.s32 $0xFFFFA000;
	s0 =	sadd.s32 s2, s4  }
0xed: {  	[hbm4b:s0+s3] =	stream.linear.scatter [tilespmem:s11], [sflag:$0x7], $0x6000, $0x38;
	[tilespmem:$0x19000] =	vst v63  }
0xee: {  	_ =	swait.ge [sflag:s24], $0x6000  }
0xef: {  	s4 =	rddreg [dreg:$0x4]  }
0xf0: {  	s0 =	sadd.s32 s2, s4;
	s2 =	sadd.s32 $0x3000, s2  }
0xf1: {  	p0 =	sne.s32 s2, $0x60000  }
.Ltmp0:
0xf2: {  	_ = 	snop;
	(pc) =	sbr.rel @p0 .LBB2_2-.Ltmp0, $4  }
0xf3: {  	_ = 	snop  }
0xf4: {  	[sflag:s24] =	ssyncset.done $0x0  }
0xf5: {  	s31 =	sadd.s32 $0x80, s31;
	[sflag:s24] =	ssyncadd.s32 $0xFFFFA000  }
0xf6: {  	[hbm4b:s0+s3] =	stream.linear.scatter [tilespmem:s12], [sflag:$0x8], $0x6000, $0x38;
	[tilespmem:$0x19000] =	vst v63  }
0xf7: {  	_ =	swait.ge [sflag:s25], $0x6000  }
0xf8: {  	[sflag:s25] =	ssyncset.done $0x0  }
0xf9: {  	[sflag:s25] =	ssyncadd.s32 $0xFFFFA000  }
0xfa: {  	_ =	swait.ge [sflag:s26], $0x6000  }
0xfb: {  	[sflag:s26] =	ssyncset.done $0x0  }
0xfc: {  	s30 =	sadd.s32 $0x1, s30;
	[sflag:s26] =	ssyncadd.s32 $0xFFFFA000  }
0xfd: {  	p0 =	sne.s32 s30, s7;
	_ =	swait.ge [sflag:s28], $0x6000  }
.Ltmp1:
0xfe: {  	[sflag:s28] =	ssyncset.done $0x0;
	(pc) =	sbr.rel @p0 .LBB2_1-.Ltmp1, $4  }
0xff: {  	[sflag:s28] =	ssyncadd.s32 $0xFFFFA000  }
0x100: {  	_ =	swait.ge [sflag:s29], $0x6000  }
0x101: {  	[sflag:s29] =	ssyncset.done $0x0  }
0x102: {  	[sflag:s29] =	ssyncadd.s32 $0xFFFFA000  }
0x103: {  	_ =	sfence.sel $0x180000  }
0x104: {  	[bflag:$0x0] =	sbarrier.arrive $0xFFFF  }
0x105: {  	_ =	strace $0x90000047  }
0x106: {  	s0 =	stileid.u32;
	[bflag:$0x2] =	sbarrier.arrive $0xFFFF  }
0x107: {  	p0 =	sne.s32 s0, $0x0;
	s0 =	rddreg [dreg:$0x3]  }
0x108: {  	s0 =	sadd.s32 @!p0 $0x100000, s0  }
0x109: {  	[sflag:s0] =	ssyncadd.tile.s32 @!p0 $0x1;
	_ =	shalt  }
.Lfunc_end2:
_tile_overlayer_lowered:
.L_overlay_start_2:
0x10a: {  	(tag) =	ssettag $0x2  }
0x10b: {  	s0 =	rddreg [dreg:$0x0];
	s2 =	stileid.u32  }
0x10c: {  	s1 =	rddreg [dreg:$0x1];
	p0 =	sne.s32 s2, $0x0  }
0x10d: {  	s3 =	rddreg [dreg:$0x2];
	[bflag:$0x3] =	sbarrier.arrive $0xFFFF;
	s2 =	simm.s32 @!p0 $0x1C09  }
0x10e: {  	[timem:s3], [sflag:s2] =	dma.local @!p0 [hbm:s0], s1  }
0x10f: {  	s0 =	simm.s32 @!p0 $0x9  }
0x110: {  	_ =	swait.ge @!p0 [sflag:s0], s1  }
0x111: {  	s1 =	ssub.s32 @!p0 $0x0, s1;
	[sflag:s0] =	ssyncset.done @!p0 $0x0  }
0x112: {  	[sflag:s0] =	ssyncadd.s32 @!p0 s1  }
0x113: {  	[bflag:$0x3] =	sbarrier.arrive $0xFFFF  }
0x114: {  	_ =	shalt  }

</sc_bundles>
